<compile_context>
chip_gen: v7x
topology: tpu7x:2x2x1
jax: 0.10.2.dev20260603
libtpu: 0.0.44.dev20260713+nightly
codegen_flags: <defaults>
</compile_context>

<pallas_src>
import jax
import jax.numpy as jnp
from jax import lax
from jax.experimental import pallas as pl
from jax.experimental.pallas import tpu as pltpu
from jax.experimental.pallas import tpu_sc as plsc

_NC = 2
_NS = 16
_NW = _NC * _NS
_CHUNK = 8
_NBUF = 4


def _pe_gather(pos_hbm, pe_hbm, out_hbm, idx_v, bufs, gsems, ssems):
    b_per_w = pos_hbm.shape[0] // _NW
    n_chunks = b_per_w // _CHUNK
    wid = lax.axis_index("s") * _NC + lax.axis_index("c")
    base = wid * b_per_w
    pltpu.sync_copy(pos_hbm.at[pl.ds(base, b_per_w)], idx_v)

    def gather_start(chunk, b):
        off = chunk * _CHUNK
        pltpu.async_copy(
            pe_hbm.at[idx_v.at[pl.ds(off, _CHUNK)]], bufs[b], gsems[b])

    def gather_wait(b):
        pltpu.make_async_copy(
            pe_hbm.at[pl.ds(0, _CHUNK)], bufs[b], gsems[b]).wait()

    def store_start(chunk, b):
        pltpu.async_copy(
            bufs[b], out_hbm.at[pl.ds(base + chunk * _CHUNK, _CHUNK)],
            ssems[b])

    def store_wait(b):
        pltpu.make_async_copy(
            bufs[b], out_hbm.at[pl.ds(base, _CHUNK)], ssems[b]).wait()

    gather_start(0, 0)
    gather_start(1, 1)

    def body(j, carry):
        for b in range(_NBUF):
            c = _NBUF * j + b

            @pl.when(c >= 2)
            def _():
                store_wait((b + 2) % _NBUF)

            @pl.when(c + 2 < n_chunks)
            def _():
                gather_start(c + 2, (b + 2) % _NBUF)

            gather_wait(b)
            store_start(c, b)
        return carry

    lax.fori_loop(0, n_chunks // _NBUF, body, 0)
    store_wait((n_chunks - 2) % _NBUF)
    store_wait((n_chunks - 1) % _NBUF)


def kernel(positions, pe):
    b, s = positions.shape
    d = pe.shape[1]
    flat = positions.reshape(b * s)
    mesh = plsc.VectorSubcoreMesh(core_axis_name="c", subcore_axis_name="s")

    def body(pos_hbm, pe_hbm, out_hbm, idx_v, b0, b1, b2, b3,
             g0, g1, g2, g3, s0, s1, s2, s3):
        _pe_gather(pos_hbm, pe_hbm, out_hbm, idx_v,
                   (b0, b1, b2, b3), (g0, g1, g2, g3), (s0, s1, s2, s3))

    out = pl.kernel(
        body,
        out_type=jax.ShapeDtypeStruct((b * s, d), jnp.float32),
        mesh=mesh,
        scratch_types=(
            [pltpu.VMEM((b * s // _NW,), jnp.int32)]
            + [pltpu.VMEM((_CHUNK, d), jnp.float32)] * _NBUF
            + [pltpu.SemaphoreType.DMA] * (2 * _NBUF)
        ),
    )(flat, pe)
    return out.reshape(b, s, d)

# --- scband reference (transcript-rebuilt; emitter-appended) ---
"""Pipeline reference for scband-sinusoidal-positional-embedding-58016418234791 (READ-ONLY COPY).

The authoritative reference and input builder live on the scoring server;
editing this copy changes nothing except your own understanding.
"""

import math
import jax, jax.numpy as jnp
import numpy as np

D_MODEL = 2048
MAX_LEN = 4096
BATCH = 4
SEQ = 4096


def make_pe(d_model, max_len):
    position = np.arange(0, max_len, dtype=np.float32)[:, None]
    div_term = np.exp(np.arange(0, d_model, 2, dtype=np.float32) * -(math.log(10000.0) / d_model))
    pe = np.zeros((max_len, d_model), dtype=np.float32)
    n_dims_even = math.ceil(d_model / 2)
    n_dims_odd = d_model - n_dims_even
    pe[:, 0::2] = np.sin(position * div_term[:n_dims_even])
    pe[:, 1::2] = np.cos(position * div_term[:n_dims_odd])
    return jnp.asarray(pe)


def setup_inputs(seed: int = 0) -> dict:
    key = jax.random.key(seed)
    positions = jax.random.randint(key, (BATCH, SEQ), 0, MAX_LEN, dtype=jnp.int32)
    pe = make_pe(D_MODEL, MAX_LEN)
    return {"positions": positions, "pe": pe}


def reference(positions, pe):
    # Faithful translation of forward: self.pe[positions]
    return jnp.take(pe, positions, axis=0)

if __name__ == "__main__":
    import jax
    _d = setup_inputs()
    print(jax.jit(kernel)(*tuple(_d.values())))

</pallas_src>

<mosaic_0001>
#map = affine_map<(d0, d1) -> (0)>
#map1 = affine_map<(d0, d1) -> (0, 0)>
module attributes {stable_mosaic.version = 14 : i64} {
  func.func @body(%arg0: i32, %arg1: i32, %arg2: memref<16384xi32, #tpu.memory_space<hbm>>, %arg3: memref<4096x2048xf32, #tpu.memory_space<hbm>>, %arg4: memref<16384x2048xf32, #tpu.memory_space<hbm>>, %arg5: memref<512xi32, #tpu.memory_space<vmem>>, %arg6: memref<8x2048xf32, #tpu.memory_space<vmem>>, %arg7: memref<8x2048xf32, #tpu.memory_space<vmem>>, %arg8: memref<8x2048xf32, #tpu.memory_space<vmem>>, %arg9: memref<8x2048xf32, #tpu.memory_space<vmem>>, %arg10: memref<!tpu.dma_semaphore, #tpu.memory_space<semaphore_mem>>, %arg11: memref<!tpu.dma_semaphore, #tpu.memory_space<semaphore_mem>>, %arg12: memref<!tpu.dma_semaphore, #tpu.memory_space<semaphore_mem>>, %arg13: memref<!tpu.dma_semaphore, #tpu.memory_space<semaphore_mem>>, %arg14: memref<!tpu.dma_semaphore, #tpu.memory_space<semaphore_mem>>, %arg15: memref<!tpu.dma_semaphore, #tpu.memory_space<semaphore_mem>>, %arg16: memref<!tpu.dma_semaphore, #tpu.memory_space<semaphore_mem>>, %arg17: memref<!tpu.dma_semaphore, #tpu.memory_space<semaphore_mem>>) attributes {dimension_semantics = [#tpu.dimension_semantics<core_parallel>, #tpu.dimension_semantics<subcore_parallel>], iteration_bounds = array<i64: 2, 16>, scalar_prefetch = 0 : i64, scratch_operands = 13 : i64, tpu.core_type = #tpu.core_type<sc_vector_subcore>, window_params = [{transform_indices = #map}, {transform_indices = #map1}, {transform_indices = #map1}]} {
    %mul3A = arith.constant 2 : i32
    %mul3A_0 = arith.muli %arg1, %mul3A : i32
    %add3A = arith.addi %mul3A_0, %arg0 : i32
    %mul3A_1 = arith.constant 512 : i32
    %mul3A_2 = arith.muli %add3A, %mul3A_1 : i32
    "tpu.region"() ({
      %run_scoped3A = tpu.sem_alloc : memref<!tpu.dma_semaphore, #tpu.memory_space<semaphore_mem>>
      %dma_start3A_24 = tpu.memref_slice %arg2[%mul3A_2] : memref<16384xi32, #tpu.memory_space<hbm>> -> memref<512xi32, #tpu.memory_space<hbm>>
      %dma_start3A_25 = tpu.memref_slice %arg2[%mul3A_2] : memref<16384xi32, #tpu.memory_space<hbm>> -> memref<512xi32, #tpu.memory_space<hbm>>
      tpu.enqueue_dma source(%dma_start3A_25 : memref<512xi32, #tpu.memory_space<hbm>>) target(%arg5 : memref<512xi32, #tpu.memory_space<vmem>>) target_semaphore(%run_scoped3A : memref<!tpu.dma_semaphore, #tpu.memory_space<semaphore_mem>>)
      %dma_wait3A_26 = tpu.memref_slice %arg2[%mul3A_2] : memref<16384xi32, #tpu.memory_space<hbm>> -> memref<512xi32, #tpu.memory_space<hbm>>
      %dma_wait3A_27 = tpu.memref_slice %arg2[%mul3A_2] : memref<16384xi32, #tpu.memory_space<hbm>> -> memref<512xi32, #tpu.memory_space<hbm>>
      tpu.wait_dma2 semaphore(%run_scoped3A : memref<!tpu.dma_semaphore, #tpu.memory_space<semaphore_mem>>) src(%dma_wait3A_27 : memref<512xi32, #tpu.memory_space<hbm>>) dst(%arg5 : memref<512xi32, #tpu.memory_space<vmem>>)
      tpu.yield
    }) : () -> ()
    %dma_start3A = arith.constant 0 : i32
    %dma_start3A_3 = tpu.memref_slice %arg5[%dma_start3A] : memref<512xi32, #tpu.memory_space<vmem>> -> memref<8xi32, #tpu.memory_space<vmem>>
    %dma_start3A_4 = arith.constant 0 : i32
    %dma_start3A_5 = arith.constant 0 : i32
    %dma_start3A_6 = tpu.memref_slice %arg3[%dma_start3A_4, %dma_start3A_5] : memref<4096x2048xf32, #tpu.memory_space<hbm>> -> memref<4096x2048xf32, #tpu.memory_space<hbm>>
    tpu.enqueue_indirect_dma source(%dma_start3A_6 : memref<4096x2048xf32, #tpu.memory_space<hbm>>) target(%arg6 : memref<8x2048xf32, #tpu.memory_space<vmem>>) offsets(%dma_start3A_3 : memref<8xi32, #tpu.memory_space<vmem>>) semaphore(%arg10 : memref<!tpu.dma_semaphore, #tpu.memory_space<semaphore_mem>>)
    %dma_start3A_7 = arith.constant 8 : i32
    %dma_start3A_8 = tpu.memref_slice %arg5[%dma_start3A_7] : memref<512xi32, #tpu.memory_space<vmem>> -> memref<8xi32, #tpu.memory_space<vmem>>
    %dma_start3A_9 = arith.constant 0 : i32
    %dma_start3A_10 = arith.constant 0 : i32
    %dma_start3A_11 = tpu.memref_slice %arg3[%dma_start3A_9, %dma_start3A_10] : memref<4096x2048xf32, #tpu.memory_space<hbm>> -> memref<4096x2048xf32, #tpu.memory_space<hbm>>
    tpu.enqueue_indirect_dma source(%dma_start3A_11 : memref<4096x2048xf32, #tpu.memory_space<hbm>>) target(%arg7 : memref<8x2048xf32, #tpu.memory_space<vmem>>) offsets(%dma_start3A_8 : memref<8xi32, #tpu.memory_space<vmem>>) semaphore(%arg11 : memref<!tpu.dma_semaphore, #tpu.memory_space<semaphore_mem>>)
    %scan3A = arith.constant 0 : i32
    %scan3A_12 = arith.constant 0 : i32
    %scan3A_13 = arith.constant 16 : i32
    %scan3A_14 = arith.addi %scan3A_12, %scan3A_13 : i32
    %scan3A_15 = arith.constant 1 : i32
    scf.for %scan3A_24 = %scan3A_12 to %scan3A_14 step %scan3A_15  : i32 {
      %mul3A_25 = arith.constant 4 : i32
      %mul3A_26 = arith.muli %mul3A_25, %scan3A_24 : i32
      %add3A_27 = arith.constant 0 : i32
      %add3A_28 = arith.addi %mul3A_26, %add3A_27 : i32
      %ge3A = arith.constant 2 : i32
      %ge3A_29 = arith.cmpi sge, %add3A_28, %ge3A : i32
      %convert_element_type3A = arith.extui %ge3A_29 : i1 to i32
      %cond3A = arith.constant 0 : i32
      %cond3A_30 = arith.cmpi ne, %convert_element_type3A, %cond3A : i32
      scf.if %cond3A_30 {
        %dma_wait3A_137 = arith.constant 0 : i32
        %dma_wait3A_138 = tpu.memref_slice %arg4[%mul3A_2, %dma_wait3A_137] : memref<16384x2048xf32, #tpu.memory_space<hbm>> -> memref<8x2048xf32, #tpu.memory_space<hbm>>
        %dma_wait3A_139 = arith.constant 0 : i32
        %dma_wait3A_140 = tpu.memref_slice %arg4[%mul3A_2, %dma_wait3A_139] : memref<16384x2048xf32, #tpu.memory_space<hbm>> -> memref<8x2048xf32, #tpu.memory_space<hbm>>
        tpu.wait_dma2 semaphore(%arg16 : memref<!tpu.dma_semaphore, #tpu.memory_space<semaphore_mem>>) src(%arg8 : memref<8x2048xf32, #tpu.memory_space<vmem>>) dst(%dma_wait3A_140 : memref<8x2048xf32, #tpu.memory_space<hbm>>)
      } else {
      }
      %add3A_31 = arith.constant 2 : i32
      %add3A_32 = arith.addi %add3A_28, %add3A_31 : i32
      %lt3A = arith.constant 64 : i32
      %lt3A_33 = arith.cmpi slt, %add3A_32, %lt3A : i32
      %convert_element_type3A_34 = arith.extui %lt3A_33 : i1 to i32
      %cond3A_35 = arith.constant 0 : i32
      %cond3A_36 = arith.cmpi ne, %convert_element_type3A_34, %cond3A_35 : i32
      scf.if %cond3A_36 {
        %add3A_137 = arith.constant 2 : i32
        %add3A_138 = arith.addi %add3A_28, %add3A_137 : i32
        %mul3A_139 = arith.constant 8 : i32
        %mul3A_140 = arith.muli %add3A_138, %mul3A_139 : i32
        %dma_start3A_141 = tpu.memref_slice %arg5[%mul3A_140] : memref<512xi32, #tpu.memory_space<vmem>> -> memref<8xi32, #tpu.memory_space<vmem>>
        %dma_start3A_142 = arith.constant 0 : i32
        %dma_start3A_143 = arith.constant 0 : i32
        %dma_start3A_144 = tpu.memref_slice %arg3[%dma_start3A_142, %dma_start3A_143] : memref<4096x2048xf32, #tpu.memory_space<hbm>> -> memref<4096x2048xf32, #tpu.memory_space<hbm>>
        tpu.enqueue_indirect_dma source(%dma_start3A_144 : memref<4096x2048xf32, #tpu.memory_space<hbm>>) target(%arg8 : memref<8x2048xf32, #tpu.memory_space<vmem>>) offsets(%dma_start3A_141 : memref<8xi32, #tpu.memory_space<vmem>>) semaphore(%arg12 : memref<!tpu.dma_semaphore, #tpu.memory_space<semaphore_mem>>)
      } else {
      }
      %dma_wait3A_37 = arith.constant 0 : i32
      %dma_wait3A_38 = arith.constant 0 : i32
      %dma_wait3A_39 = tpu.memref_slice %arg3[%dma_wait3A_37, %dma_wait3A_38] : memref<4096x2048xf32, #tpu.memory_space<hbm>> -> memref<8x2048xf32, #tpu.memory_space<hbm>>
      %dma_wait3A_40 = arith.constant 0 : i32
      %dma_wait3A_41 = arith.constant 0 : i32
      %dma_wait3A_42 = tpu.memref_slice %arg3[%dma_wait3A_40, %dma_wait3A_41] : memref<4096x2048xf32, #tpu.memory_space<hbm>> -> memref<8x2048xf32, #tpu.memory_space<hbm>>
      tpu.wait_dma2 semaphore(%arg10 : memref<!tpu.dma_semaphore, #tpu.memory_space<semaphore_mem>>) src(%dma_wait3A_42 : memref<8x2048xf32, #tpu.memory_space<hbm>>) dst(%arg6 : memref<8x2048xf32, #tpu.memory_space<vmem>>)
      %mul3A_43 = arith.constant 8 : i32
      %mul3A_44 = arith.muli %add3A_28, %mul3A_43 : i32
      %add3A_45 = arith.addi %mul3A_2, %mul3A_44 : i32
      %dma_start3A_46 = arith.constant 0 : i32
      %dma_start3A_47 = tpu.memref_slice %arg4[%add3A_45, %dma_start3A_46] : memref<16384x2048xf32, #tpu.memory_space<hbm>> -> memref<8x2048xf32, #tpu.memory_space<hbm>>
      %dma_start3A_48 = arith.constant 0 : i32
      %dma_start3A_49 = tpu.memref_slice %arg4[%add3A_45, %dma_start3A_48] : memref<16384x2048xf32, #tpu.memory_space<hbm>> -> memref<8x2048xf32, #tpu.memory_space<hbm>>
      tpu.enqueue_dma source(%arg6 : memref<8x2048xf32, #tpu.memory_space<vmem>>) target(%dma_start3A_49 : memref<8x2048xf32, #tpu.memory_space<hbm>>) target_semaphore(%arg14 : memref<!tpu.dma_semaphore, #tpu.memory_space<semaphore_mem>>)
      %mul3A_50 = arith.constant 4 : i32
      %mul3A_51 = arith.muli %mul3A_50, %scan3A_24 : i32
      %add3A_52 = arith.constant 1 : i32
      %add3A_53 = arith.addi %mul3A_51, %add3A_52 : i32
      %ge3A_54 = arith.constant 2 : i32
      %ge3A_55 = arith.cmpi sge, %add3A_53, %ge3A_54 : i32
      %convert_element_type3A_56 = arith.extui %ge3A_55 : i1 to i32
      %cond3A_57 = arith.constant 0 : i32
      %cond3A_58 = arith.cmpi ne, %convert_element_type3A_56, %cond3A_57 : i32
      scf.if %cond3A_58 {
        %dma_wait3A_137 = arith.constant 0 : i32
        %dma_wait3A_138 = tpu.memref_slice %arg4[%mul3A_2, %dma_wait3A_137] : memref<16384x2048xf32, #tpu.memory_space<hbm>> -> memref<8x2048xf32, #tpu.memory_space<hbm>>
        %dma_wait3A_139 = arith.constant 0 : i32
        %dma_wait3A_140 = tpu.memref_slice %arg4[%mul3A_2, %dma_wait3A_139] : memref<16384x2048xf32, #tpu.memory_space<hbm>> -> memref<8x2048xf32, #tpu.memory_space<hbm>>
        tpu.wait_dma2 semaphore(%arg17 : memref<!tpu.dma_semaphore, #tpu.memory_space<semaphore_mem>>) src(%arg9 : memref<8x2048xf32, #tpu.memory_space<vmem>>) dst(%dma_wait3A_140 : memref<8x2048xf32, #tpu.memory_space<hbm>>)
      } else {
      }
      %add3A_59 = arith.constant 2 : i32
      %add3A_60 = arith.addi %add3A_53, %add3A_59 : i32
      %lt3A_61 = arith.constant 64 : i32
      %lt3A_62 = arith.cmpi slt, %add3A_60, %lt3A_61 : i32
      %convert_element_type3A_63 = arith.extui %lt3A_62 : i1 to i32
      %cond3A_64 = arith.constant 0 : i32
      %cond3A_65 = arith.cmpi ne, %convert_element_type3A_63, %cond3A_64 : i32
      scf.if %cond3A_65 {
        %add3A_137 = arith.constant 2 : i32
        %add3A_138 = arith.addi %add3A_53, %add3A_137 : i32
        %mul3A_139 = arith.constant 8 : i32
        %mul3A_140 = arith.muli %add3A_138, %mul3A_139 : i32
        %dma_start3A_141 = tpu.memref_slice %arg5[%mul3A_140] : memref<512xi32, #tpu.memory_space<vmem>> -> memref<8xi32, #tpu.memory_space<vmem>>
        %dma_start3A_142 = arith.constant 0 : i32
        %dma_start3A_143 = arith.constant 0 : i32
        %dma_start3A_144 = tpu.memref_slice %arg3[%dma_start3A_142, %dma_start3A_143] : memref<4096x2048xf32, #tpu.memory_space<hbm>> -> memref<4096x2048xf32, #tpu.memory_space<hbm>>
        tpu.enqueue_indirect_dma source(%dma_start3A_144 : memref<4096x2048xf32, #tpu.memory_space<hbm>>) target(%arg9 : memref<8x2048xf32, #tpu.memory_space<vmem>>) offsets(%dma_start3A_141 : memref<8xi32, #tpu.memory_space<vmem>>) semaphore(%arg13 : memref<!tpu.dma_semaphore, #tpu.memory_space<semaphore_mem>>)
      } else {
      }
      %dma_wait3A_66 = arith.constant 0 : i32
      %dma_wait3A_67 = arith.constant 0 : i32
      %dma_wait3A_68 = tpu.memref_slice %arg3[%dma_wait3A_66, %dma_wait3A_67] : memref<4096x2048xf32, #tpu.memory_space<hbm>> -> memref<8x2048xf32, #tpu.memory_space<hbm>>
      %dma_wait3A_69 = arith.constant 0 : i32
      %dma_wait3A_70 = arith.constant 0 : i32
      %dma_wait3A_71 = tpu.memref_slice %arg3[%dma_wait3A_69, %dma_wait3A_70] : memref<4096x2048xf32, #tpu.memory_space<hbm>> -> memref<8x2048xf32, #tpu.memory_space<hbm>>
      tpu.wait_dma2 semaphore(%arg11 : memref<!tpu.dma_semaphore, #tpu.memory_space<semaphore_mem>>) src(%dma_wait3A_71 : memref<8x2048xf32, #tpu.memory_space<hbm>>) dst(%arg7 : memref<8x2048xf32, #tpu.memory_space<vmem>>)
      %mul3A_72 = arith.constant 8 : i32
      %mul3A_73 = arith.muli %add3A_53, %mul3A_72 : i32
      %add3A_74 = arith.addi %mul3A_2, %mul3A_73 : i32
      %dma_start3A_75 = arith.constant 0 : i32
      %dma_start3A_76 = tpu.memref_slice %arg4[%add3A_74, %dma_start3A_75] : memref<16384x2048xf32, #tpu.memory_space<hbm>> -> memref<8x2048xf32, #tpu.memory_space<hbm>>
      %dma_start3A_77 = arith.constant 0 : i32
      %dma_start3A_78 = tpu.memref_slice %arg4[%add3A_74, %dma_start3A_77] : memref<16384x2048xf32, #tpu.memory_space<hbm>> -> memref<8x2048xf32, #tpu.memory_space<hbm>>
      tpu.enqueue_dma source(%arg7 : memref<8x2048xf32, #tpu.memory_space<vmem>>) target(%dma_start3A_78 : memref<8x2048xf32, #tpu.memory_space<hbm>>) target_semaphore(%arg15 : memref<!tpu.dma_semaphore, #tpu.memory_space<semaphore_mem>>)
      %mul3A_79 = arith.constant 4 : i32
      %mul3A_80 = arith.muli %mul3A_79, %scan3A_24 : i32
      %add3A_81 = arith.constant 2 : i32
      %add3A_82 = arith.addi %mul3A_80, %add3A_81 : i32
      %ge3A_83 = arith.constant 2 : i32
      %ge3A_84 = arith.cmpi sge, %add3A_82, %ge3A_83 : i32
      %convert_element_type3A_85 = arith.extui %ge3A_84 : i1 to i32
      %cond3A_86 = arith.constant 0 : i32
      %cond3A_87 = arith.cmpi ne, %convert_element_type3A_85, %cond3A_86 : i32
      scf.if %cond3A_87 {
        %dma_wait3A_137 = arith.constant 0 : i32
        %dma_wait3A_138 = tpu.memref_slice %arg4[%mul3A_2, %dma_wait3A_137] : memref<16384x2048xf32, #tpu.memory_space<hbm>> -> memref<8x2048xf32, #tpu.memory_space<hbm>>
        %dma_wait3A_139 = arith.constant 0 : i32
        %dma_wait3A_140 = tpu.memref_slice %arg4[%mul3A_2, %dma_wait3A_139] : memref<16384x2048xf32, #tpu.memory_space<hbm>> -> memref<8x2048xf32, #tpu.memory_space<hbm>>
        tpu.wait_dma2 semaphore(%arg14 : memref<!tpu.dma_semaphore, #tpu.memory_space<semaphore_mem>>) src(%arg6 : memref<8x2048xf32, #tpu.memory_space<vmem>>) dst(%dma_wait3A_140 : memref<8x2048xf32, #tpu.memory_space<hbm>>)
      } else {
      }
      %add3A_88 = arith.constant 2 : i32
      %add3A_89 = arith.addi %add3A_82, %add3A_88 : i32
      %lt3A_90 = arith.constant 64 : i32
      %lt3A_91 = arith.cmpi slt, %add3A_89, %lt3A_90 : i32
      %convert_element_type3A_92 = arith.extui %lt3A_91 : i1 to i32
      %cond3A_93 = arith.constant 0 : i32
      %cond3A_94 = arith.cmpi ne, %convert_element_type3A_92, %cond3A_93 : i32
      scf.if %cond3A_94 {
        %add3A_137 = arith.constant 2 : i32
        %add3A_138 = arith.addi %add3A_82, %add3A_137 : i32
        %mul3A_139 = arith.constant 8 : i32
        %mul3A_140 = arith.muli %add3A_138, %mul3A_139 : i32
        %dma_start3A_141 = tpu.memref_slice %arg5[%mul3A_140] : memref<512xi32, #tpu.memory_space<vmem>> -> memref<8xi32, #tpu.memory_space<vmem>>
        %dma_start3A_142 = arith.constant 0 : i32
        %dma_start3A_143 = arith.constant 0 : i32
        %dma_start3A_144 = tpu.memref_slice %arg3[%dma_start3A_142, %dma_start3A_143] : memref<4096x2048xf32, #tpu.memory_space<hbm>> -> memref<4096x2048xf32, #tpu.memory_space<hbm>>
        tpu.enqueue_indirect_dma source(%dma_start3A_144 : memref<4096x2048xf32, #tpu.memory_space<hbm>>) target(%arg6 : memref<8x2048xf32, #tpu.memory_space<vmem>>) offsets(%dma_start3A_141 : memref<8xi32, #tpu.memory_space<vmem>>) semaphore(%arg10 : memref<!tpu.dma_semaphore, #tpu.memory_space<semaphore_mem>>)
      } else {
      }
      %dma_wait3A_95 = arith.constant 0 : i32
      %dma_wait3A_96 = arith.constant 0 : i32
      %dma_wait3A_97 = tpu.memref_slice %arg3[%dma_wait3A_95, %dma_wait3A_96] : memref<4096x2048xf32, #tpu.memory_space<hbm>> -> memref<8x2048xf32, #tpu.memory_space<hbm>>
      %dma_wait3A_98 = arith.constant 0 : i32
      %dma_wait3A_99 = arith.constant 0 : i32
      %dma_wait3A_100 = tpu.memref_slice %arg3[%dma_wait3A_98, %dma_wait3A_99] : memref<4096x2048xf32, #tpu.memory_space<hbm>> -> memref<8x2048xf32, #tpu.memory_space<hbm>>
      tpu.wait_dma2 semaphore(%arg12 : memref<!tpu.dma_semaphore, #tpu.memory_space<semaphore_mem>>) src(%dma_wait3A_100 : memref<8x2048xf32, #tpu.memory_space<hbm>>) dst(%arg8 : memref<8x2048xf32, #tpu.memory_space<vmem>>)
      %mul3A_101 = arith.constant 8 : i32
      %mul3A_102 = arith.muli %add3A_82, %mul3A_101 : i32
      %add3A_103 = arith.addi %mul3A_2, %mul3A_102 : i32
      %dma_start3A_104 = arith.constant 0 : i32
      %dma_start3A_105 = tpu.memref_slice %arg4[%add3A_103, %dma_start3A_104] : memref<16384x2048xf32, #tpu.memory_space<hbm>> -> memref<8x2048xf32, #tpu.memory_space<hbm>>
      %dma_start3A_106 = arith.constant 0 : i32
      %dma_start3A_107 = tpu.memref_slice %arg4[%add3A_103, %dma_start3A_106] : memref<16384x2048xf32, #tpu.memory_space<hbm>> -> memref<8x2048xf32, #tpu.memory_space<hbm>>
      tpu.enqueue_dma source(%arg8 : memref<8x2048xf32, #tpu.memory_space<vmem>>) target(%dma_start3A_107 : memref<8x2048xf32, #tpu.memory_space<hbm>>) target_semaphore(%arg16 : memref<!tpu.dma_semaphore, #tpu.memory_space<semaphore_mem>>)
      %mul3A_108 = arith.constant 4 : i32
      %mul3A_109 = arith.muli %mul3A_108, %scan3A_24 : i32
      %add3A_110 = arith.constant 3 : i32
      %add3A_111 = arith.addi %mul3A_109, %add3A_110 : i32
      %ge3A_112 = arith.constant 2 : i32
      %ge3A_113 = arith.cmpi sge, %add3A_111, %ge3A_112 : i32
      %convert_element_type3A_114 = arith.extui %ge3A_113 : i1 to i32
      %cond3A_115 = arith.constant 0 : i32
      %cond3A_116 = arith.cmpi ne, %convert_element_type3A_114, %cond3A_115 : i32
      scf.if %cond3A_116 {
        %dma_wait3A_137 = arith.constant 0 : i32
        %dma_wait3A_138 = tpu.memref_slice %arg4[%mul3A_2, %dma_wait3A_137] : memref<16384x2048xf32, #tpu.memory_space<hbm>> -> memref<8x2048xf32, #tpu.memory_space<hbm>>
        %dma_wait3A_139 = arith.constant 0 : i32
        %dma_wait3A_140 = tpu.memref_slice %arg4[%mul3A_2, %dma_wait3A_139] : memref<16384x2048xf32, #tpu.memory_space<hbm>> -> memref<8x2048xf32, #tpu.memory_space<hbm>>
        tpu.wait_dma2 semaphore(%arg15 : memref<!tpu.dma_semaphore, #tpu.memory_space<semaphore_mem>>) src(%arg7 : memref<8x2048xf32, #tpu.memory_space<vmem>>) dst(%dma_wait3A_140 : memref<8x2048xf32, #tpu.memory_space<hbm>>)
      } else {
      }
      %add3A_117 = arith.constant 2 : i32
      %add3A_118 = arith.addi %add3A_111, %add3A_117 : i32
      %lt3A_119 = arith.constant 64 : i32
      %lt3A_120 = arith.cmpi slt, %add3A_118, %lt3A_119 : i32
      %convert_element_type3A_121 = arith.extui %lt3A_120 : i1 to i32
      %cond3A_122 = arith.constant 0 : i32
      %cond3A_123 = arith.cmpi ne, %convert_element_type3A_121, %cond3A_122 : i32
      scf.if %cond3A_123 {
        %add3A_137 = arith.constant 2 : i32
        %add3A_138 = arith.addi %add3A_111, %add3A_137 : i32
        %mul3A_139 = arith.constant 8 : i32
        %mul3A_140 = arith.muli %add3A_138, %mul3A_139 : i32
        %dma_start3A_141 = tpu.memref_slice %arg5[%mul3A_140] : memref<512xi32, #tpu.memory_space<vmem>> -> memref<8xi32, #tpu.memory_space<vmem>>
        %dma_start3A_142 = arith.constant 0 : i32
        %dma_start3A_143 = arith.constant 0 : i32
        %dma_start3A_144 = tpu.memref_slice %arg3[%dma_start3A_142, %dma_start3A_143] : memref<4096x2048xf32, #tpu.memory_space<hbm>> -> memref<4096x2048xf32, #tpu.memory_space<hbm>>
        tpu.enqueue_indirect_dma source(%dma_start3A_144 : memref<4096x2048xf32, #tpu.memory_space<hbm>>) target(%arg7 : memref<8x2048xf32, #tpu.memory_space<vmem>>) offsets(%dma_start3A_141 : memref<8xi32, #tpu.memory_space<vmem>>) semaphore(%arg11 : memref<!tpu.dma_semaphore, #tpu.memory_space<semaphore_mem>>)
      } else {
      }
      %dma_wait3A_124 = arith.constant 0 : i32
      %dma_wait3A_125 = arith.constant 0 : i32
      %dma_wait3A_126 = tpu.memref_slice %arg3[%dma_wait3A_124, %dma_wait3A_125] : memref<4096x2048xf32, #tpu.memory_space<hbm>> -> memref<8x2048xf32, #tpu.memory_space<hbm>>
      %dma_wait3A_127 = arith.constant 0 : i32
      %dma_wait3A_128 = arith.constant 0 : i32
      %dma_wait3A_129 = tpu.memref_slice %arg3[%dma_wait3A_127, %dma_wait3A_128] : memref<4096x2048xf32, #tpu.memory_space<hbm>> -> memref<8x2048xf32, #tpu.memory_space<hbm>>
      tpu.wait_dma2 semaphore(%arg13 : memref<!tpu.dma_semaphore, #tpu.memory_space<semaphore_mem>>) src(%dma_wait3A_129 : memref<8x2048xf32, #tpu.memory_space<hbm>>) dst(%arg9 : memref<8x2048xf32, #tpu.memory_space<vmem>>)
      %mul3A_130 = arith.constant 8 : i32
      %mul3A_131 = arith.muli %add3A_111, %mul3A_130 : i32
      %add3A_132 = arith.addi %mul3A_2, %mul3A_131 : i32
      %dma_start3A_133 = arith.constant 0 : i32
      %dma_start3A_134 = tpu.memref_slice %arg4[%add3A_132, %dma_start3A_133] : memref<16384x2048xf32, #tpu.memory_space<hbm>> -> memref<8x2048xf32, #tpu.memory_space<hbm>>
      %dma_start3A_135 = arith.constant 0 : i32
      %dma_start3A_136 = tpu.memref_slice %arg4[%add3A_132, %dma_start3A_135] : memref<16384x2048xf32, #tpu.memory_space<hbm>> -> memref<8x2048xf32, #tpu.memory_space<hbm>>
      tpu.enqueue_dma source(%arg9 : memref<8x2048xf32, #tpu.memory_space<vmem>>) target(%dma_start3A_136 : memref<8x2048xf32, #tpu.memory_space<hbm>>) target_semaphore(%arg17 : memref<!tpu.dma_semaphore, #tpu.memory_space<semaphore_mem>>)
    }
    %scan3A_16 = arith.constant 16 : i32
    %dma_wait3A = arith.constant 0 : i32
    %dma_wait3A_17 = tpu.memref_slice %arg4[%mul3A_2, %dma_wait3A] : memref<16384x2048xf32, #tpu.memory_space<hbm>> -> memref<8x2048xf32, #tpu.memory_space<hbm>>
    %dma_wait3A_18 = arith.constant 0 : i32
    %dma_wait3A_19 = tpu.memref_slice %arg4[%mul3A_2, %dma_wait3A_18] : memref<16384x2048xf32, #tpu.memory_space<hbm>> -> memref<8x2048xf32, #tpu.memory_space<hbm>>
    tpu.wait_dma2 semaphore(%arg16 : memref<!tpu.dma_semaphore, #tpu.memory_space<semaphore_mem>>) src(%arg8 : memref<8x2048xf32, #tpu.memory_space<vmem>>) dst(%dma_wait3A_19 : memref<8x2048xf32, #tpu.memory_space<hbm>>)
    %dma_wait3A_20 = arith.constant 0 : i32
    %dma_wait3A_21 = tpu.memref_slice %arg4[%mul3A_2, %dma_wait3A_20] : memref<16384x2048xf32, #tpu.memory_space<hbm>> -> memref<8x2048xf32, #tpu.memory_space<hbm>>
    %dma_wait3A_22 = arith.constant 0 : i32
    %dma_wait3A_23 = tpu.memref_slice %arg4[%mul3A_2, %dma_wait3A_22] : memref<16384x2048xf32, #tpu.memory_space<hbm>> -> memref<8x2048xf32, #tpu.memory_space<hbm>>
    tpu.wait_dma2 semaphore(%arg17 : memref<!tpu.dma_semaphore, #tpu.memory_space<semaphore_mem>>) src(%arg9 : memref<8x2048xf32, #tpu.memory_space<vmem>>) dst(%dma_wait3A_23 : memref<8x2048xf32, #tpu.memory_space<hbm>>)
    return
  }
}

</mosaic_0001>

<sc_bundles>
// kernel: kernel.3.cloned.1.call-start
scs
__scs_entry_jumppad:
0x0: {  	(pc) =	sbr.rel $0x88, $3  }
0x1: {  	(tag) =	ssettag $0x0;
	lr =	simm.s32 $0x1  }
0x2: {  	[smem:$0x3F9F] =	sst lr;
	_ =	strace $0xD0000000  }
0x3: {  	_ = 	snop  }
0x4: {  	_ = 	snop  }
0x5: {  	_ = 	snop  }
0x6: {  	_ = 	snop  }
0x7: {  	_ = 	snop  }
__scs_overlays_trampoline_lowered:
0x8: {  	[smem:$0x3FAE] =	sst s0  }
0x9: {  	[smem:$0x3FAF] =	sst s1  }
0xa: {  	[smem:$0x3FB0] =	sst s2  }
0xb: {  	[smem:$0x3FB1] =	sst s3  }
0xc: {  	[smem:$0x3FB2] =	sst s4  }
0xd: {  	[smem:$0x3FB3] =	sst s5  }
0xe: {  	[smem:$0x3FB4] =	sst s6  }
0xf: {  	[smem:$0x3FB5] =	sst s7  }
0x10: {  	[smem:$0x3FB6] =	sst s8  }
0x11: {  	[smem:$0x3FB7] =	sst s9;
	s0 =	simm.s32 @!p0 $0x0  }
0x12: {  	s1 =	sld [smem:$0x3F9D];
	s0 =	simm.s32 @p0 $0x1  }
0x13: {  	[smem:$0x3FB8] =	sst s0;
	s0 =	simm.s32 @!p1 $0x0  }
0x14: {  	s2 =	sld [smem:$0x3F9C];
	s0 =	simm.s32 @p1 $0x1  }
0x15: {  	[smem:$0x3FB9] =	sst s0;
	s0 =	simm.s32 @!p2 $0x0  }
0x16: {  	s3 =	sld [smem:$0x3FDB];
	s0 =	simm.s32 @p2 $0x1  }
0x17: {  	s4 =	simm.s32 $0x1BF5;
	[smem:$0x3FBB] =	sst s0  }
0x18: {  	s0 =	sld [smem:$0x3F9E];
	_ =	swait.ge [sflag:s4], $0x0  }
0x19: {  	s7 =	sld [smem:$0x3F9F]  }
0x1a: {  	s8 =	sadd.s32 $0xFFFFE003, lr  }
0x1b: {  	s9 =	sadd.s32 $0xFFFFFEF7, lr;
	s5 =	simm.s32 $0xFFFFFFFF;
	p2 =	slt.u32 s8, $0xFFFFF086  }
0x1c: {  	p1 =	slt.u32 s9, $0xF7A;
	s5 =	simm.s32 @!p2 $0x0  }
0x1d: {  	s5 =	simm.s32 @p1 $0x1;
	p0 =	seq.s32 s7, s2  }
0x1e: {  	s7 =	smul.u32 @!p0 $0xF7A, s2;
	p2 =	seq.s32 @!p0 s5, $0x0  }
0x1f: {  	s9 =	smul.u32 $0xF7A, s1;
	s8 =	simm.s32 @!p0 $0x1BF5;
	p2 =	por !p2, p0  }
0x20: {  	[sflag:s8] =	ssyncset.s32 @!p0 $0xFFFFF086;
	s6 =	sadd.s32 @!p0 s3, s7;
	s7 =	simm.s32 @!p0 $0x108  }
0x21: {  	s3 =	sadd.s32 s3, s9;
	s6 =	sadd.s32 @!p0 $0x88, s6;
	s7 =	simm.s32 @p2 $0x1082  }
0x22: {  	[simem:s7], [sflag:s8] =	dma.local @!p0 [hbm:s6], $0xF7A  }
0x23: {  	s9 =	sor.u32 $0xD0000000, s2;
	s6 =	simm.s32 $0x108;
	_ =	swait.ge @!p0 [sflag:s8], $0x0  }
0x24: {  	s3 =	sadd.s32 $0x88, s3;
	s6 =	simm.s32 @!p1 $0x1082;
	[sflag:s4] =	ssyncset.s32 $0xFFFFF086  }
0x25: {  	[simem:s6], [sflag:s4] =	dma.local [hbm:s3], $0xF7A  }
0x26: {  	[smem:$0x3F9F] =	sst s1;
	(tag) =	ssettag s2;
	_ =	strace s9  }
0x27: {  	s1 =	sld [smem:$0x3FAF]  }
0x28: {  	s2 =	sld [smem:$0x3FB0]  }
0x29: {  	s4 =	sld [smem:$0x3FB2]  }
0x2a: {  	p0 =	seq.s32 s5, $0x0;
	s5 =	sld [smem:$0x3FB3]  }
0x2b: {  	s6 =	sld [smem:$0x3FB4]  }
0x2c: {  	s7 =	sld [smem:$0x3FB5]  }
0x2d: {  	s3 =	simm.s32 $0x108;
	s8 =	sld [smem:$0x3FB6]  }
0x2e: {  	s3 =	simm.s32 @!p0 $0x1082;
	s9 =	sld [smem:$0x3FB7]  }
0x2f: {  	lr =	sadd.s32 s0, s3;
	s0 =	sld [smem:$0x3FAE]  }
0x30: {  	s3 =	sld [smem:$0x3FB1]  }
0x31: {  	[smem:$0x3FBA] =	sst s10  }
0x32: {  	s10 =	sld [smem:$0x3FB8];
	_ =	sdelay $0x3  }
0x33: {  	p0 =	seq.s32 s10, $0x1;
	s10 =	sld [smem:$0x3FBA];
	_ =	sdelay $0x3  }
0x34: {  	[smem:$0x3FBA] =	sst s10  }
0x35: {  	s10 =	sld [smem:$0x3FB9];
	_ =	sdelay $0x3  }
0x36: {  	p1 =	seq.s32 s10, $0x1;
	s10 =	sld [smem:$0x3FBA];
	_ =	sdelay $0x3  }
0x37: {  	[smem:$0x3FBA] =	sst s10  }
0x38: {  	s10 =	sld [smem:$0x3FBB]  }
0x39: {  	_ = 	snop;
	(pc) =	sbr.ind lr, $3  }
0x3a: {  	_ = 	snop  }
0x3b: {  	_ = 	snop  }
0x3c: {  	p2 =	seq.s32 s10, $0x1;
	s10 =	sld [smem:$0x3FBA]  }
0x3d: {  	_ =	shalt  }
0x3e: {  	_ =	shalt  }
0x3f: {  	_ =	shalt  }
0x40: {  	_ =	shalt  }
0x41: {  	_ =	shalt  }
0x42: {  	_ =	shalt  }
0x43: {  	_ =	shalt  }
0x44: {  	_ =	shalt  }
0x45: {  	_ =	shalt  }
0x46: {  	_ =	shalt  }
0x47: {  	_ =	shalt  }
0x48: {  	_ =	shalt  }
0x49: {  	_ =	shalt  }
0x4a: {  	_ =	shalt  }
0x4b: {  	_ =	shalt  }
0x4c: {  	_ =	shalt  }
0x4d: {  	_ =	shalt  }
0x4e: {  	_ =	shalt  }
0x4f: {  	_ =	shalt  }
0x50: {  	_ =	shalt  }
0x51: {  	_ =	shalt  }
0x52: {  	_ =	shalt  }
0x53: {  	_ =	shalt  }
0x54: {  	_ =	shalt  }
0x55: {  	_ =	shalt  }
0x56: {  	_ =	shalt  }
0x57: {  	_ =	shalt  }
0x58: {  	_ =	shalt  }
0x59: {  	_ =	shalt  }
0x5a: {  	_ =	shalt  }
0x5b: {  	_ =	shalt  }
0x5c: {  	_ =	shalt  }
0x5d: {  	_ =	shalt  }
0x5e: {  	_ =	shalt  }
0x5f: {  	_ =	shalt  }
0x60: {  	_ =	shalt  }
0x61: {  	_ =	shalt  }
0x62: {  	_ =	shalt  }
0x63: {  	_ =	shalt  }
0x64: {  	_ =	shalt  }
0x65: {  	_ =	shalt  }
0x66: {  	_ =	shalt  }
0x67: {  	_ =	shalt  }
0x68: {  	_ =	shalt  }
0x69: {  	_ =	shalt  }
0x6a: {  	_ =	shalt  }
0x6b: {  	_ =	shalt  }
0x6c: {  	_ =	shalt  }
0x6d: {  	_ =	shalt  }
0x6e: {  	_ =	shalt  }
0x6f: {  	_ =	shalt  }
0x70: {  	_ =	shalt  }
0x71: {  	_ =	shalt  }
0x72: {  	_ =	shalt  }
0x73: {  	_ =	shalt  }
0x74: {  	_ =	shalt  }
0x75: {  	_ =	shalt  }
0x76: {  	_ =	shalt  }
0x77: {  	_ =	shalt  }
0x78: {  	_ =	shalt  }
0x79: {  	_ =	shalt  }
0x7a: {  	_ =	shalt  }
0x7b: {  	_ =	shalt  }
0x7c: {  	_ =	shalt  }
0x7d: {  	_ =	shalt  }
0x7e: {  	_ =	shalt  }
0x7f: {  	_ =	shalt  }
0x80: {  	_ =	shalt  }
0x81: {  	_ =	shalt  }
0x82: {  	_ =	shalt  }
0x83: {  	_ =	shalt  }
0x84: {  	_ =	shalt  }
0x85: {  	_ =	shalt  }
0x86: {  	_ =	shalt  }
0x87: {  	_ =	shalt  }
.Lfunc_end0:
.L_simem_size_0:
called_computation_lowered:
.L_overlay_start_0:
0x88: {  	s2 =	sld [smem:$0x3FD9]  }
0x89: {  	s3 =	sld [smem:$0x3FFE];
	_ =	sdelay $0x1  }
0x8a: {  	s1 =	srdreg.scid  }
0x8b: {  	s0 =	sand.u32 $0x1, s1  }
0x8c: {  	s17 =	sshll.u32 s0, $0xA;
	s2 =	sadd.s32 s3, s2  }
0x8d: {  	s2 =	sadd.s32 s2, s17  }
0x8e: {  	[smem:$0x3FC6] =	sst s2  }
0x8f: {  	_ = 	snop  }
0x90: {  	s2 =	sld [smem:$0x3FC8]  }
0x91: {  	s18 =	sld [smem:$0x3FD0];
	(tm) =	ssettm $0x1  }
0x92: {  	s4 =	sld [smem:$0x3FFB];
	_ =	sdelay $0x3  }
0x93: {  	_ =	strace s4  }
0x94: {  	s4 =	sld [smem:$0x3FFC];
	_ =	sdelay $0x3  }
0x95: {  	_ =	strace s4  }
0x96: {  	s4 =	sld [smem:$0x3FFD];
	_ =	sdelay $0x3  }
0x97: {  	_ =	strace s4  }
0x98: {  	_ =	strace $0x8FFFFFFF  }
0x99: {  	s19 =	sld [smem:$0x3FDB];
	_ =	sdelay $0x1  }
0x9a: {  	s5 =	simm.s32 $_scs_section_size  }
0x9b: {  	s6 =	simm.s32 $_size__tile_overlayer_lowered;
	s7 =	simm.s32 $_tile_overlayer_lowered  }
0x9c: {  	s22 =	simm.s32 $0x1BFF;
	s21 =	sshll.u32 s7, $0x1;
	s4 =	sadd.s32 s5, s19  }
0x9d: {  	s8 =	simm.s32 $0x0;
	s20 =	sshll.u32 s6, $0x1;
	s6 =	sadd.s32 s21, s4  }
0x9e: {  	[timem:s8], [sflag:s22] =	dma.local [hbm:s6], s20  }
0x9f: {  	_ =	swait.ge [sflag:s22], s20  }
0xa0: {  	s5 =	ssub.s32 $0x0, s20;
	[sflag:s22] =	ssyncset.done $0x0  }
0xa1: {  	[sflag:s22] =	ssyncadd.s32 s5;
	_ =	sdelay $0x1  }
0xa2: {  	s23 =	simm.s32 $0x1B8B  }
0xa3: {  	_ =	swait.ge [sflag:s23], $0x1  }
0xa4: {  	[sflag:s23] =	ssyncset.done $0x0  }
0xa5: {  	s25 =	simm.s32 $0x1B8E;
	s24 =	sld [smem:$0x3FFE];
	[sflag:s23] =	ssyncadd.s32 $0xFFFFFFFF  }
0xa6: {  	s26 =	simm.s32 $execute0_lowered;
	[smem:$0x3FD2] =	sst s25  }
0xa7: {  	s6 =	sshll.u32 s26, $0x1;
	_ =	strace $0x80000046;
	[dreg:$0x1] =	wrdreg $0xFFFFFFFF  }
0xa8: {  	s28 =	simm.s32 $_size_execute0_lowered;
	s4 =	sadd.s32 s4, s6;
	[dreg:$0x0] =	wrdreg $0x0  }
0xa9: {  	s6 =	sshll.u32 s28, $0x1;
	[dreg:$0x2] =	wrdreg s4  }
0xaa: {  	[dreg:$0x3] =	wrdreg s6  }
0xab: {  	[dreg:$0x4] =	wrdreg $0xC0  }
0xac: {  	_ =	task [dreg:s8], $0x5FFFF  }
0xad: {  	[dreg:$0x1] =	wrdreg $0xFFFFFFFF  }
0xae: {  	[dreg:$0x0] =	wrdreg $0x60  }
0xaf: {  	[dreg:$0x2] =	wrdreg s24  }
0xb0: {  	[dreg:$0x3] =	wrdreg s2  }
0xb1: {  	[dreg:$0x4] =	wrdreg s18  }
0xb2: {  	[dreg:$0x5] =	wrdreg $0x9  }
0xb3: {  	_ =	task.clear_ibuf [dreg:s8], $0x6FFFF;
	_ =	strace $0x90000046  }
0xb4: {  	s29 =	simm.s32 $0x9;
	_ =	strace $0x80000048  }
0xb5: {  	_ =	swait.ge [sflag:s29], $0x1  }
0xb6: {  	[sflag:s29] =	ssyncadd.s32 $0xFFFFFFFF  }
0xb7: {  	_ =	strace $0x90000048  }
0xb8: {  	_ =	sfence  }
0xb9: {  	s30 =	sld [smem:$0x0];
	_ =	sdelay $0x2  }
0xba: {  	s31 =	sshll.u32 s1, $0xD;
	s1 =	sshrl.u32 s1, $0x2  }
0xbb: {  	s3 =	sand.u32 $0x4000, s31;
	s1 =	sadd.s32 s1, s30  }
0xbc: {  	s0 =	sor.u32 s3, s0;
	s1 =	sshll.u32 s1, $0x11  }
0xbd: {  	s0 =	sor.u32 s1, s0  }
0xbe: {  	s0 =	sadd.s32 $0x8F2B, s0  }
0xbf: {  	[sflag:s0] =	ssyncadd.remote.s32 $0x1  }
0xc0: {  	_ =	sfence.sel $0xFFFF  }
0xc1: {  	[dreg:$0x0] =	wrdreg $0xFFFFFFFF;
	(pc) =	sbr.abs _section_cstart, $3  }
0xc2: {  	[dreg:$0x1] =	wrdreg $0xFFFFFFFF  }
0xc3: {  	_ =	task.clear_ibuf [dreg:s8], $0x2FFFF;
	_ =	strace $0x9FFFFFFF  }
0xc4: {  	(tm) =	ssettm $0x7FFFFFFF  }
0xc5: {  	_ =	shalt  }
tec
execute0_lowered:
.L_overlay_start_1:
0x0: {  	(tag) =	ssettag $0x1  }
0x1: {  	s0 =	rddreg [dreg:$0x0]  }
0x2: {  	s1 =	srdreg.scid;
	s2 =	rddreg [dreg:$0x1]  }
0x3: {  	s9 =	stileid.u32;
	s8 =	rddreg [dreg:$0x2]  }
0x4: {  	s15 =	simm.s32 $0x8A00;
	s16 =	simm.s32 $0x9200;
	s1 =	sand.u32 $0x1, s1  }
0x5: {  	s17 =	simm.s32 $0x9A00;
	s3 =	sshll.u32 s9, $0xA;
	s4 =	sshll.u32 s1, $0x9  }
0x6: {  	s18 =	simm.s32 $0xA200;
	s7 =	sor.u32 s4, s3;
	s3 =	simm.s32 $0x0  }
0x7: {  	s19 =	simm.s32 $0xAA00;
	s20 =	simm.s32 $0xB200;
	[smem:$0x7FF] =	sst s3  }
0x8: {  	s21 =	simm.s32 $0xBA00;
	_ =	strace $0x80000047;
	[dreg:$0x7] =	wrdreg s15  }
0x9: {  	s22 =	simm.s32 $0xCA00;
	s23 =	simm.s32 $0xD200;
	[dreg:$0x8] =	wrdreg s16  }
0xa: {  	s24 =	simm.s32 $0xDA00;
	s25 =	simm.s32 $0xE200;
	[dreg:$0x9] =	wrdreg s17  }
0xb: {  	s26 =	simm.s32 $0xEA00;
	s28 =	simm.s32 $0xF200;
	[dreg:$0xa] =	wrdreg s18  }
0xc: {  	s29 =	simm.s32 $0xFA00;
	s30 =	simm.s32 $0x7A00;
	[dreg:$0xb] =	wrdreg s19  }
0xd: {  	s31 =	simm.s32 $0x8200;
	s9 =	sshll.u32 s9, $0x12;
	[dreg:$0xc] =	wrdreg s20  }
0xe: {  	s5 =	ssub.s32 $0x2, s1;
	s1 =	sshll.u32 s1, $0x11;
	[dreg:$0xd] =	wrdreg s21  }
0xf: {  	s6 =	sshrl.u32 s5, $0x1;
	s4 =	sshrl.u32 s7, $0x3;
	[dreg:$0xe] =	wrdreg s22  }
0x10: {  	s12 =	ssub.s32 s5, s6;
	s5 =	sadd.s32 $0x100, s2;
	[dreg:$0xf] =	wrdreg s23  }
0x11: {  	s6 =	sadd.s32 $0x200, s2;
	s10 =	sshll.u32 s7, $0x8;
	[dreg:$0x10] =	wrdreg s24  }
0x12: {  	s7 =	sadd.s32 $0x300, s2;
	s0 =	sadd.s32 s4, s0;
	[dreg:$0x11] =	wrdreg s25  }
0x13: {  	s11 =	sadd.s32 s10, s8;
	s10 =	sadd.s32 $0x600, s2;
	[dreg:$0x12] =	wrdreg s26  }
0x14: {  	s12 =	smax.u32 s12, $0x1;
	s22 =	simm.s32 $0x4200;
	[dreg:$0x13] =	wrdreg s28  }
0x15: {  	[dreg:$0x14] =	wrdreg s29;
	s15 =	simm.s32 $0x2;
	s16 =	simm.s32 $0x5  }
0x16: {  	s17 =	simm.s32 $0x3;
	s18 =	simm.s32 $0x6;
	s19 =	simm.s32 $0x4  }
0x17: {  	s20 =	simm.s32 $0x7;
	s21 =	simm.s32 $0x8;
	s23 =	simm.s32 $0x0  }
0x18: {  	s4 =	sadd.s32 $0x400, s0;
	s0 =	sadd.s32 s9, s8;
	s8 =	sadd.s32 $0x400, s2  }
0x19: {  	s13 =	sadd.s32 $0x1800, s11;
	s9 =	sadd.s32 $0x500, s2;
	s14 =	sadd.s32 $0x1000, s11  }
0x1a: {  	v0 =	vlaneseq.u32;
	s11 =	sadd.s32 $0x700, s2;
	s0 =	sadd.s32 s1, s0;
	[dreg:$0x5] =	wrdreg s13  }
0x1b: {  	v1 =	vshrl.u32 v0, $0x3;
	[dreg:$0x6] =	wrdreg s14;
	s13 =	simm.s32 $0x9;
	s14 =	simm.s32 $0x200  }
0x1c: {  	vm0 =	vmmov $0xffff;
	v0 =	vand.u32 $0x7, v0;
	v1 =	vmul.u32 $0x8, v1;
	s1 =	simm.s32 $0x1;
	[dreg:$0x4] =	wrdreg s0;
	s0 =	simm.s32 $0xC200  }
.LBB2_1:
0x1d: {  	[tilespmem:s3], [sflag:$0x9] =	stream.linear.gather [hbm4b:s4+s3], $0x200, $0x38;
	[tilespmem:$0x10200] =	vst v63  }
0x1e: {  	_ =	swait.ge [sflag:s13], $0x200  }
0x1f: {  	[sflag:s13] =	ssyncset.done $0x0  }
0x20: {  	[sflag:s13] =	ssyncadd.s32 $0xFFFFFE00  }
0x21: {  	v2 =	vld.msk [tilespmem:$0x0], $0xff;
	_ =	sdelay $0x4  }
0x22: {  	v3 =	vshll.u32 v2, $0x4  }
0x23: {  	v2 =	vand.u32 $0x7, v2;
	v3 =	vand.u32 $0xFFFFFF80, v3  }
0x24: {  	v2 =	vor.u32 v2, v3  }
0x25: {  	v2 =	vperm.xlane v2, v0;
	_ =	sdelay $0x1  }
0x26: {  	v2 =	vadd.s32 v1, v2;
	_ =	sdelay $0x4  }
0x27: {  	[tilespmem:s14], [sflag:$0x1] =	stream.indirect_vreg.gather [hbm4b:s2+s3], $0x80, v2, vm0, $0xb8;
	[tilespmem:$0x10200] =	vst v63  }
0x28: {  	s24 =	simm.s32 $0xA00  }
0x29: {  	[tilespmem:s24], [sflag:$0x1] =	stream.indirect_vreg.gather [hbm4b:s5+s3], $0x80, v2, vm0, $0xb8;
	[tilespmem:$0x10200] =	vst v63  }
0x2a: {  	s25 =	simm.s32 $0x1200  }
0x2b: {  	[tilespmem:s25], [sflag:$0x1] =	stream.indirect_vreg.gather [hbm4b:s6+s3], $0x80, v2, vm0, $0xb8;
	[tilespmem:$0x10200] =	vst v63  }
0x2c: {  	s26 =	simm.s32 $0x1A00  }
0x2d: {  	[tilespmem:s26], [sflag:$0x1] =	stream.indirect_vreg.gather [hbm4b:s7+s3], $0x80, v2, vm0, $0xb8;
	[tilespmem:$0x10200] =	vst v63  }
0x2e: {  	s28 =	simm.s32 $0x2200  }
0x2f: {  	[tilespmem:s28], [sflag:$0x1] =	stream.indirect_vreg.gather [hbm4b:s8+s3], $0x80, v2, vm0, $0xb8;
	[tilespmem:$0x10200] =	vst v63  }
0x30: {  	s29 =	simm.s32 $0x2A00  }
0x31: {  	[tilespmem:s29], [sflag:$0x1] =	stream.indirect_vreg.gather [hbm4b:s9+s3], $0x80, v2, vm0, $0xb8;
	[tilespmem:$0x10200] =	vst v63  }
0x32: {  	s25 =	simm.s32 $0x3200  }
0x33: {  	[tilespmem:s25], [sflag:$0x1] =	stream.indirect_vreg.gather [hbm4b:s10+s3], $0x80, v2, vm0, $0xb8;
	[tilespmem:$0x10200] =	vst v63  }
0x34: {  	s26 =	simm.s32 $0x3A00  }
0x35: {  	[tilespmem:s26], [sflag:$0x1] =	stream.indirect_vreg.gather [hbm4b:s11+s3], $0x80, v2, vm0, $0xb8;
	[tilespmem:$0x10200] =	vst v63  }
0x36: {  	v2 =	vld.msk [tilespmem:$0x8], $0xff;
	_ =	sdelay $0x4  }
0x37: {  	v3 =	vshll.u32 v2, $0x4  }
0x38: {  	v2 =	vand.u32 $0x7, v2;
	v3 =	vand.u32 $0xFFFFFF80, v3  }
0x39: {  	v2 =	vor.u32 v2, v3  }
0x3a: {  	v2 =	vperm.xlane v2, v0;
	_ =	sdelay $0x1  }
0x3b: {  	v2 =	vadd.s32 v1, v2;
	_ =	sdelay $0x4  }
0x3c: {  	[tilespmem:s22], [sflag:$0x2] =	stream.indirect_vreg.gather [hbm4b:s2+s3], $0x80, v2, vm0, $0xb8;
	[tilespmem:$0x10200] =	vst v63  }
0x3d: {  	s28 =	simm.s32 $0x4A00  }
0x3e: {  	[tilespmem:s28], [sflag:$0x2] =	stream.indirect_vreg.gather [hbm4b:s5+s3], $0x80, v2, vm0, $0xb8;
	[tilespmem:$0x10200] =	vst v63  }
0x3f: {  	s29 =	simm.s32 $0x5200  }
0x40: {  	[tilespmem:s29], [sflag:$0x2] =	stream.indirect_vreg.gather [hbm4b:s6+s3], $0x80, v2, vm0, $0xb8;
	[tilespmem:$0x10200] =	vst v63  }
0x41: {  	s25 =	simm.s32 $0x5A00  }
0x42: {  	[tilespmem:s25], [sflag:$0x2] =	stream.indirect_vreg.gather [hbm4b:s7+s3], $0x80, v2, vm0, $0xb8;
	[tilespmem:$0x10200] =	vst v63  }
0x43: {  	s26 =	simm.s32 $0x6200  }
0x44: {  	[tilespmem:s26], [sflag:$0x2] =	stream.indirect_vreg.gather [hbm4b:s8+s3], $0x80, v2, vm0, $0xb8;
	[tilespmem:$0x10200] =	vst v63  }
0x45: {  	s28 =	simm.s32 $0x6A00  }
0x46: {  	[tilespmem:s28], [sflag:$0x2] =	stream.indirect_vreg.gather [hbm4b:s9+s3], $0x80, v2, vm0, $0xb8;
	[tilespmem:$0x10200] =	vst v63  }
0x47: {  	s29 =	simm.s32 $0x7200  }
0x48: {  	[tilespmem:s29], [sflag:$0x2] =	stream.indirect_vreg.gather [hbm4b:s10+s3], $0x80, v2, vm0, $0xb8;
	[tilespmem:$0x10200] =	vst v63  }
0x49: {  	s24 =	simm.s32 $0x18;
	s25 =	simm.s32 $0x0  }
0x4a: {  	[tilespmem:s30], [sflag:$0x2] =	stream.indirect_vreg.gather [hbm4b:s11+s3], $0x80, v2, vm0, $0xb8;
	[tilespmem:$0x10200] =	vst v63  }
.LBB2_2:
0x4b: {  	p0 =	seq.s32 s25, $0x0  }
0x4c: {  	s26 =	simm.s32 @!p0 $0x7  }
0x4d: {  	_ =	swait.ge @!p0 [sflag:s26], $0x4000  }
0x4e: {  	[sflag:s26] =	ssyncset.done @!p0 $0x0  }
0x4f: {  	[sflag:s26] =	ssyncadd.s32 @!p0 $0xFFFFC000  }
0x50: {  	v2 =	vld.msk [tilespmem:s24+$0xFFFFFFF8], $0xff;
	_ =	sdelay $0x4  }
0x51: {  	v3 =	vshll.u32 v2, $0x4  }
0x52: {  	v2 =	vand.u32 $0x7, v2;
	v3 =	vand.u32 $0xFFFFFF80, v3  }
0x53: {  	v2 =	vor.u32 v2, v3  }
0x54: {  	v2 =	vperm.xlane v2, v0;
	_ =	sdelay $0x1  }
0x55: {  	v2 =	vadd.s32 v1, v2;
	_ =	sdelay $0x4  }
0x56: {  	[tilespmem:s31], [sflag:$0x3] =	stream.indirect_vreg.gather [hbm4b:s2+s3], $0x80, v2, vm0, $0xb8;
	[tilespmem:$0x10200] =	vst v63  }
0x57: {  	s29 =	rddreg [dreg:$0x7]  }
0x58: {  	[tilespmem:s29], [sflag:$0x3] =	stream.indirect_vreg.gather [hbm4b:s5+s3], $0x80, v2, vm0, $0xb8;
	[tilespmem:$0x10200] =	vst v63  }
0x59: {  	s28 =	rddreg [dreg:$0x8]  }
0x5a: {  	[tilespmem:s28], [sflag:$0x3] =	stream.indirect_vreg.gather [hbm4b:s6+s3], $0x80, v2, vm0, $0xb8;
	[tilespmem:$0x10200] =	vst v63  }
0x5b: {  	s29 =	rddreg [dreg:$0x9]  }
0x5c: {  	[tilespmem:s29], [sflag:$0x3] =	stream.indirect_vreg.gather [hbm4b:s7+s3], $0x80, v2, vm0, $0xb8;
	[tilespmem:$0x10200] =	vst v63  }
0x5d: {  	s28 =	rddreg [dreg:$0xa]  }
0x5e: {  	[tilespmem:s28], [sflag:$0x3] =	stream.indirect_vreg.gather [hbm4b:s8+s3], $0x80, v2, vm0, $0xb8;
	[tilespmem:$0x10200] =	vst v63  }
0x5f: {  	s29 =	rddreg [dreg:$0xb]  }
0x60: {  	[tilespmem:s29], [sflag:$0x3] =	stream.indirect_vreg.gather [hbm4b:s9+s3], $0x80, v2, vm0, $0xb8;
	[tilespmem:$0x10200] =	vst v63  }
0x61: {  	s28 =	rddreg [dreg:$0xc]  }
0x62: {  	[tilespmem:s28], [sflag:$0x3] =	stream.indirect_vreg.gather [hbm4b:s10+s3], $0x80, v2, vm0, $0xb8;
	[tilespmem:$0x10200] =	vst v63  }
0x63: {  	s29 =	rddreg [dreg:$0xd]  }
0x64: {  	[tilespmem:s29], [sflag:$0x3] =	stream.indirect_vreg.gather [hbm4b:s11+s3], $0x80, v2, vm0, $0xb8;
	[tilespmem:$0x10200] =	vst v63  }
0x65: {  	_ =	swait.ge [sflag:s1], $0x4000  }
0x66: {  	s28 =	rddreg [dreg:$0x4];
	[sflag:s1] =	ssyncset.done $0x0  }
0x67: {  	[sflag:s1] =	ssyncadd.s32 $0xFFFFC000;
	s26 =	sadd.s32 s25, s28;
	s28 =	simm.s32 @!p0 $0x8  }
0x68: {  	[hbm4b:s26+s3] =	stream.linear.scatter [tilespmem:s14], [sflag:$0x5], $0x4000, $0x38;
	[tilespmem:$0x10200] =	vst v63  }
0x69: {  	_ =	swait.ge @!p0 [sflag:s28], $0x4000  }
0x6a: {  	[sflag:s28] =	ssyncset.done @!p0 $0x0  }
0x6b: {  	[sflag:s28] =	ssyncadd.s32 @!p0 $0xFFFFC000  }
0x6c: {  	v2 =	vld.msk [tilespmem:s24+$0x0], $0xff;
	_ =	sdelay $0x4  }
0x6d: {  	v3 =	vshll.u32 v2, $0x4  }
0x6e: {  	v2 =	vand.u32 $0x7, v2;
	v3 =	vand.u32 $0xFFFFFF80, v3  }
0x6f: {  	v2 =	vor.u32 v2, v3  }
0x70: {  	v2 =	vperm.xlane v2, v0;
	_ =	sdelay $0x1  }
0x71: {  	v2 =	vadd.s32 v1, v2;
	_ =	sdelay $0x4  }
0x72: {  	[tilespmem:s0], [sflag:$0x4] =	stream.indirect_vreg.gather [hbm4b:s2+s3], $0x80, v2, vm0, $0xb8;
	[tilespmem:$0x10200] =	vst v63  }
0x73: {  	s28 =	rddreg [dreg:$0xe]  }
0x74: {  	[tilespmem:s28], [sflag:$0x4] =	stream.indirect_vreg.gather [hbm4b:s5+s3], $0x80, v2, vm0, $0xb8;
	[tilespmem:$0x10200] =	vst v63  }
0x75: {  	s29 =	rddreg [dreg:$0xf]  }
0x76: {  	[tilespmem:s29], [sflag:$0x4] =	stream.indirect_vreg.gather [hbm4b:s6+s3], $0x80, v2, vm0, $0xb8;
	[tilespmem:$0x10200] =	vst v63  }
0x77: {  	s28 =	rddreg [dreg:$0x10]  }
0x78: {  	[tilespmem:s28], [sflag:$0x4] =	stream.indirect_vreg.gather [hbm4b:s7+s3], $0x80, v2, vm0, $0xb8;
	[tilespmem:$0x10200] =	vst v63  }
0x79: {  	s29 =	rddreg [dreg:$0x11]  }
0x7a: {  	[tilespmem:s29], [sflag:$0x4] =	stream.indirect_vreg.gather [hbm4b:s8+s3], $0x80, v2, vm0, $0xb8;
	[tilespmem:$0x10200] =	vst v63  }
0x7b: {  	s28 =	rddreg [dreg:$0x12]  }
0x7c: {  	[tilespmem:s28], [sflag:$0x4] =	stream.indirect_vreg.gather [hbm4b:s9+s3], $0x80, v2, vm0, $0xb8;
	[tilespmem:$0x10200] =	vst v63  }
0x7d: {  	s29 =	rddreg [dreg:$0x13]  }
0x7e: {  	[tilespmem:s29], [sflag:$0x4] =	stream.indirect_vreg.gather [hbm4b:s10+s3], $0x80, v2, vm0, $0xb8;
	[tilespmem:$0x10200] =	vst v63  }
0x7f: {  	s28 =	rddreg [dreg:$0x14]  }
0x80: {  	[tilespmem:s28], [sflag:$0x4] =	stream.indirect_vreg.gather [hbm4b:s11+s3], $0x80, v2, vm0, $0xb8;
	[tilespmem:$0x10200] =	vst v63  }
0x81: {  	_ =	swait.ge [sflag:s15], $0x4000  }
0x82: {  	[sflag:s15] =	ssyncset.done $0x0  }
0x83: {  	s26 =	sadd.s32 $0x800, s26;
	[sflag:s15] =	ssyncadd.s32 $0xFFFFC000  }
0x84: {  	[hbm4b:s26+s3] =	stream.linear.scatter [tilespmem:s22], [sflag:$0x6], $0x4000, $0x38;
	[tilespmem:$0x10200] =	vst v63  }
0x85: {  	_ =	swait.ge [sflag:s16], $0x4000  }
0x86: {  	[sflag:s16] =	ssyncset.done $0x0  }
0x87: {  	p0 =	seq.s32 s25, $0x1E000;
	[sflag:s16] =	ssyncadd.s32 $0xFFFFC000  }
0x88: {  	v2 =	vld.msk @!p0 [tilespmem:s24+$0x8], $0xff;
	_ =	sdelay $0x4  }
0x89: {  	v3 =	vshll.u32 @!p0 v2, $0x4  }
0x8a: {  	v4 =	vlaneseq.u32 @!p0;
	v2 =	vand.u32 @!p0 $0x7, v2;
	v3 =	vand.u32 @!p0 $0xFFFFFF80, v3  }
0x8b: {  	v2 =	vor.u32 @!p0 v2, v3;
	v3 =	vand.u32 @!p0 $0x7, v4;
	v4 =	vshrl.u32 @!p0 v4, $0x3  }
0x8c: {  	v2 =	vperm.xlane @!p0 v2, v3;
	v4 =	vmul.u32 @!p0 $0x8, v4;
	_ =	sdelay $0x1  }
0x8d: {  	v2 =	vadd.s32 @!p0 v4, v2;
	_ =	sdelay $0x3  }
0x8e: {  	vm1 =	vmmov @!p0 $0xffff;
	s28 =	simm.s32 @!p0 $0x200;
	s26 =	simm.s32 @!p0 $0x0  }
0x8f: {  	[tilespmem:s28], [sflag:$0x1] =	stream.indirect_vreg.gather @!p0 [hbm4b:s2+s26], $0x80, v2, vm1, $0xb8;
	[tilespmem:$0x10200] =	vst v63  }
0x90: {  	s28 =	simm.s32 @!p0 $0xA00  }
0x91: {  	[tilespmem:s28], [sflag:$0x1] =	stream.indirect_vreg.gather @!p0 [hbm4b:s5+s26], $0x80, v2, vm1, $0xb8;
	[tilespmem:$0x10200] =	vst v63  }
0x92: {  	s28 =	simm.s32 @!p0 $0x1200  }
0x93: {  	[tilespmem:s28], [sflag:$0x1] =	stream.indirect_vreg.gather @!p0 [hbm4b:s6+s26], $0x80, v2, vm1, $0xb8;
	[tilespmem:$0x10200] =	vst v63  }
0x94: {  	s28 =	simm.s32 @!p0 $0x1A00  }
0x95: {  	[tilespmem:s28], [sflag:$0x1] =	stream.indirect_vreg.gather @!p0 [hbm4b:s7+s26], $0x80, v2, vm1, $0xb8;
	[tilespmem:$0x10200] =	vst v63  }
0x96: {  	s28 =	simm.s32 @!p0 $0x2200  }
0x97: {  	[tilespmem:s28], [sflag:$0x1] =	stream.indirect_vreg.gather @!p0 [hbm4b:s8+s26], $0x80, v2, vm1, $0xb8;
	[tilespmem:$0x10200] =	vst v63  }
0x98: {  	s28 =	simm.s32 @!p0 $0x2A00  }
0x99: {  	[tilespmem:s28], [sflag:$0x1] =	stream.indirect_vreg.gather @!p0 [hbm4b:s9+s26], $0x80, v2, vm1, $0xb8;
	[tilespmem:$0x10200] =	vst v63  }
0x9a: {  	s28 =	simm.s32 @!p0 $0x3200  }
0x9b: {  	[tilespmem:s28], [sflag:$0x1] =	stream.indirect_vreg.gather @!p0 [hbm4b:s10+s26], $0x80, v2, vm1, $0xb8;
	[tilespmem:$0x10200] =	vst v63  }
0x9c: {  	s28 =	simm.s32 @!p0 $0x3A00  }
0x9d: {  	[tilespmem:s28], [sflag:$0x1] =	stream.indirect_vreg.gather @!p0 [hbm4b:s11+s26], $0x80, v2, vm1, $0xb8;
	[tilespmem:$0x10200] =	vst v63  }
0x9e: {  	_ =	swait.ge [sflag:s17], $0x4000  }
0x9f: {  	s29 =	rddreg [dreg:$0x6];
	[sflag:s17] =	ssyncset.done $0x0  }
0xa0: {  	[sflag:s17] =	ssyncadd.s32 $0xFFFFC000;
	s28 =	sadd.s32 s25, s29  }
0xa1: {  	[hbm4b:s28+s3] =	stream.linear.scatter [tilespmem:s31], [sflag:$0x7], $0x4000, $0x38;
	[tilespmem:$0x10200] =	vst v63  }
0xa2: {  	_ =	swait.ge [sflag:s18], $0x4000  }
0xa3: {  	[sflag:s18] =	ssyncset.done $0x0  }
0xa4: {  	[sflag:s18] =	ssyncadd.s32 $0xFFFFC000  }
0xa5: {  	v2 =	vld.msk @!p0 [tilespmem:s24+$0x10], $0xff;
	_ =	sdelay $0x4  }
0xa6: {  	v5 =	vshll.u32 @!p0 v2, $0x4  }
0xa7: {  	v2 =	vand.u32 @!p0 $0x7, v2;
	v5 =	vand.u32 @!p0 $0xFFFFFF80, v5  }
0xa8: {  	v2 =	vor.u32 @!p0 v2, v5  }
0xa9: {  	v2 =	vperm.xlane @!p0 v2, v3;
	_ =	sdelay $0x1  }
0xaa: {  	v2 =	vadd.s32 @!p0 v4, v2;
	_ =	sdelay $0x3  }
0xab: {  	s28 =	simm.s32 @!p0 $0x4200  }
0xac: {  	[tilespmem:s28], [sflag:$0x2] =	stream.indirect_vreg.gather @!p0 [hbm4b:s2+s26], $0x80, v2, vm1, $0xb8;
	[tilespmem:$0x10200] =	vst v63  }
0xad: {  	s28 =	simm.s32 @!p0 $0x4A00  }
0xae: {  	[tilespmem:s28], [sflag:$0x2] =	stream.indirect_vreg.gather @!p0 [hbm4b:s5+s26], $0x80, v2, vm1, $0xb8;
	[tilespmem:$0x10200] =	vst v63  }
0xaf: {  	s28 =	simm.s32 @!p0 $0x5200  }
0xb0: {  	[tilespmem:s28], [sflag:$0x2] =	stream.indirect_vreg.gather @!p0 [hbm4b:s6+s26], $0x80, v2, vm1, $0xb8;
	[tilespmem:$0x10200] =	vst v63  }
0xb1: {  	s28 =	simm.s32 @!p0 $0x5A00  }
0xb2: {  	[tilespmem:s28], [sflag:$0x2] =	stream.indirect_vreg.gather @!p0 [hbm4b:s7+s26], $0x80, v2, vm1, $0xb8;
	[tilespmem:$0x10200] =	vst v63  }
0xb3: {  	s28 =	simm.s32 @!p0 $0x6200  }
0xb4: {  	[tilespmem:s28], [sflag:$0x2] =	stream.indirect_vreg.gather @!p0 [hbm4b:s8+s26], $0x80, v2, vm1, $0xb8;
	[tilespmem:$0x10200] =	vst v63  }
0xb5: {  	s28 =	simm.s32 @!p0 $0x6A00  }
0xb6: {  	[tilespmem:s28], [sflag:$0x2] =	stream.indirect_vreg.gather @!p0 [hbm4b:s9+s26], $0x80, v2, vm1, $0xb8;
	[tilespmem:$0x10200] =	vst v63  }
0xb7: {  	s28 =	simm.s32 @!p0 $0x7200  }
0xb8: {  	[tilespmem:s28], [sflag:$0x2] =	stream.indirect_vreg.gather @!p0 [hbm4b:s10+s26], $0x80, v2, vm1, $0xb8;
	[tilespmem:$0x10200] =	vst v63  }
0xb9: {  	s28 =	simm.s32 @!p0 $0x7A00  }
0xba: {  	[tilespmem:s28], [sflag:$0x2] =	stream.indirect_vreg.gather @!p0 [hbm4b:s11+s26], $0x80, v2, vm1, $0xb8;
	[tilespmem:$0x10200] =	vst v63  }
0xbb: {  	_ =	swait.ge [sflag:s19], $0x4000  }
0xbc: {  	s29 =	rddreg [dreg:$0x5]  }
0xbd: {  	s26 =	sadd.s32 s25, s29;
	s25 =	sadd.s32 $0x2000, s25  }
0xbe: {  	p0 =	sne.s32 s25, $0x20000  }
.Ltmp0:
0xbf: {  	_ = 	snop;
	(pc) =	sbr.rel @p0 .LBB2_2-.Ltmp0, $4  }
0xc0: {  	_ = 	snop  }
0xc1: {  	[sflag:s19] =	ssyncset.done $0x0  }
0xc2: {  	s24 =	sadd.s32 $0x20, s24;
	[sflag:s19] =	ssyncadd.s32 $0xFFFFC000  }
0xc3: {  	[hbm4b:s26+s3] =	stream.linear.scatter [tilespmem:s0], [sflag:$0x8], $0x4000, $0x38;
	[tilespmem:$0x10200] =	vst v63  }
0xc4: {  	s23 =	sadd.s32 $0x1, s23  }
0xc5: {  	_ =	swait.ge [sflag:s20], $0x4000;
	p0 =	sne.s32 s23, s12  }
.Ltmp1:
0xc6: {  	[sflag:s20] =	ssyncset.done $0x0;
	(pc) =	sbr.rel @p0 .LBB2_1-.Ltmp1, $4  }
0xc7: {  	[sflag:s20] =	ssyncadd.s32 $0xFFFFC000  }
0xc8: {  	_ =	swait.ge [sflag:s21], $0x4000  }
0xc9: {  	[sflag:s21] =	ssyncset.done $0x0  }
0xca: {  	[sflag:s21] =	ssyncadd.s32 $0xFFFFC000  }
0xcb: {  	_ =	sfence.sel $0x180000  }
0xcc: {  	[bflag:$0x0] =	sbarrier.arrive $0xFFFF  }
0xcd: {  	_ =	strace $0x90000047  }
0xce: {  	s0 =	stileid.u32;
	[bflag:$0x2] =	sbarrier.arrive $0xFFFF  }
0xcf: {  	p0 =	sne.s32 s0, $0x0;
	s0 =	rddreg [dreg:$0x3]  }
0xd0: {  	s0 =	sadd.s32 @!p0 $0x100000, s0  }
0xd1: {  	[sflag:s0] =	ssyncadd.tile.s32 @!p0 $0x1;
	_ =	shalt  }
.Lfunc_end2:
_tile_overlayer_lowered:
.L_overlay_start_2:
0xd2: {  	(tag) =	ssettag $0x2  }
0xd3: {  	s0 =	rddreg [dreg:$0x0];
	s2 =	stileid.u32  }
0xd4: {  	s1 =	rddreg [dreg:$0x1];
	p0 =	sne.s32 s2, $0x0  }
0xd5: {  	s3 =	rddreg [dreg:$0x2];
	[bflag:$0x3] =	sbarrier.arrive $0xFFFF;
	s2 =	simm.s32 @!p0 $0x1C09  }
0xd6: {  	[timem:s3], [sflag:s2] =	dma.local @!p0 [hbm:s0], s1  }
0xd7: {  	s0 =	simm.s32 @!p0 $0x9  }
0xd8: {  	_ =	swait.ge @!p0 [sflag:s0], s1  }
0xd9: {  	s1 =	ssub.s32 @!p0 $0x0, s1;
	[sflag:s0] =	ssyncset.done @!p0 $0x0  }
0xda: {  	[sflag:s0] =	ssyncadd.s32 @!p0 s1  }
0xdb: {  	[bflag:$0x3] =	sbarrier.arrive $0xFFFF  }
0xdc: {  	_ =	shalt  }

</sc_bundles>
